<compile_context>
chip_gen: v7x
topology: tpu7x:2x2x1
jax: 0.10.2.dev20260603
libtpu: 0.0.44.dev20260713+nightly
codegen_flags: <defaults>
</compile_context>

<pallas_src>
import functools

import jax
import jax.numpy as jnp
from jax import lax
from jax.experimental import pallas as pl
from jax.experimental.pallas import tpu as pltpu
from jax.experimental.pallas import tpu_sc as plsc

B = 16384
D = 64

_info = plsc.get_sparse_core_info()
NC, NS = _info.num_cores, _info.num_subcores
NW = NC * NS
BPW = B // NW
CHUNK = 128
NCHUNK = BPW // CHUNK
NBUF = 6

_mesh = plsc.VectorSubcoreMesh(core_axis_name="c", subcore_axis_name="s")


@functools.partial(
    pl.kernel,
    out_type=jax.ShapeDtypeStruct((B, 2 * D), jnp.float32),
    mesh=_mesh,
    compiler_params=pltpu.CompilerParams(use_tc_tiling_on_sc=False),
    scratch_types=[
        pltpu.VMEM((NCHUNK, CHUNK), jnp.int32),
        pltpu.VMEM((NCHUNK, CHUNK), jnp.int32),
    ]
    + [pltpu.VMEM((CHUNK, 2 * D), jnp.float32) for _ in range(NBUF)]
    + [pltpu.SemaphoreType.DMA for _ in range(NBUF)]
    + [pltpu.SemaphoreType.DMA],
)
def _encode(yt_hbm, w_hbm, out_hbm,
            idx0_v, idx1_v, b0, b1, b2, b3, b4, b5,
            s0, s1, s2, s3, s4, s5, wsem):
    wid = lax.axis_index("s") * NC + lax.axis_index("c")
    base = wid * BPW
    bufs = (b0, b1, b2, b3, b4, b5)
    sems = (s0, s1, s2, s3, s4, s5)

    pltpu.sync_copy(yt_hbm.at[0, pl.ds(wid * NCHUNK, NCHUNK)], idx0_v)
    pltpu.sync_copy(yt_hbm.at[1, pl.ds(wid * NCHUNK, NCHUNK)], idx1_v)

    g0 = [
        pltpu.async_copy(w_hbm.at[idx0_v.at[j]], bufs[j], sems[j])
        for j in range(NCHUNK)
    ]
    g1 = [
        pltpu.async_copy(w_hbm.at[idx1_v.at[j]], bufs[NCHUNK + j],
                         sems[NCHUNK + j])
        for j in range(2)
    ]
    w0 = []
    for j in range(NCHUNK):
        g0[j].wait()
        w0.append(pltpu.async_copy(
            bufs[j], out_hbm.at[pl.ds(base + j * CHUNK, CHUNK)], wsem))
    for w in w0:
        w.wait()
    g1.append(pltpu.async_copy(w_hbm.at[idx1_v.at[2]], b0, s0))
    g1.append(pltpu.async_copy(w_hbm.at[idx1_v.at[3]], b1, s1))
    g1_buf = (b4, b5, b0, b1)
    w1 = []
    for j in range(NCHUNK):
        g1[j].wait()
        w1.append(pltpu.async_copy(
            g1_buf[j].at[:, pl.ds(D, D)],
            out_hbm.at[pl.ds(base + j * CHUNK, CHUNK), pl.ds(D, D)],
            wsem))
    for w in w1:
        w.wait()


def kernel(y, W0, W1):
    yt = y.astype(jnp.int32).T.reshape(2, NW * NCHUNK, CHUNK)
    w = jnp.concatenate([W0, W1], axis=1)
    return _encode(yt, w)

# --- scband reference (transcript-rebuilt; emitter-appended) ---
"""Pipeline reference for scband-multi-label-encoder-1365799600175 (READ-ONLY COPY).

The authoritative reference and input builder live on the scoring server;
editing this copy changes nothing except your own understanding.
"""

import jax, jax.numpy as jnp
import numpy as np

BATCH = 16384
VOCAB = 100000
D_LATENT = 128
N_LABELS = 2
D_PER = D_LATENT // N_LABELS  # 64, 'cat' interaction


def setup_inputs(seed: int = 0) -> dict:
    key = jax.random.key(seed)
    k1, k2, k3 = jax.random.split(key, 3)
    y = jax.random.randint(k1, (BATCH, N_LABELS), 0, VOCAB)
    # Embedding tables sized (num_classes + 1, d_latent // n_labels)
    W0 = jax.random.normal(k2, (VOCAB + 1, D_PER), dtype=jnp.float32) * 0.02
    W1 = jax.random.normal(k3, (VOCAB + 1, D_PER), dtype=jnp.float32) * 0.02
    return {"y": y, "W0": W0, "W1": W1}


def reference(y, W0, W1):
    # interaction == 'cat': concat per-label embedding lookups along feature dim
    e0 = jnp.take(W0, y[:, 0], axis=0)
    e1 = jnp.take(W1, y[:, 1], axis=0)
    return jnp.concatenate([e0, e1], axis=1)

if __name__ == "__main__":
    import jax
    _d = setup_inputs()
    print(jax.jit(kernel)(*tuple(_d.values())))

</pallas_src>

<mosaic_0001>
#map = affine_map<(d0, d1) -> (0, 0, 0)>
#map1 = affine_map<(d0, d1) -> (0, 0)>
module attributes {stable_mosaic.version = 14 : i64} {
  func.func @_encode(%arg0: i32, %arg1: i32, %arg2: memref<2x128x128xi32, #tpu.memory_space<hbm>>, %arg3: memref<100001x128xf32, #tpu.memory_space<hbm>>, %arg4: memref<16384x128xf32, #tpu.memory_space<hbm>>, %arg5: memref<4x128xi32, #tpu.memory_space<vmem>>, %arg6: memref<4x128xi32, #tpu.memory_space<vmem>>, %arg7: memref<128x128xf32, #tpu.memory_space<vmem>>, %arg8: memref<128x128xf32, #tpu.memory_space<vmem>>, %arg9: memref<128x128xf32, #tpu.memory_space<vmem>>, %arg10: memref<128x128xf32, #tpu.memory_space<vmem>>, %arg11: memref<128x128xf32, #tpu.memory_space<vmem>>, %arg12: memref<128x128xf32, #tpu.memory_space<vmem>>, %arg13: memref<!tpu.dma_semaphore, #tpu.memory_space<semaphore_mem>>, %arg14: memref<!tpu.dma_semaphore, #tpu.memory_space<semaphore_mem>>, %arg15: memref<!tpu.dma_semaphore, #tpu.memory_space<semaphore_mem>>, %arg16: memref<!tpu.dma_semaphore, #tpu.memory_space<semaphore_mem>>, %arg17: memref<!tpu.dma_semaphore, #tpu.memory_space<semaphore_mem>>, %arg18: memref<!tpu.dma_semaphore, #tpu.memory_space<semaphore_mem>>, %arg19: memref<!tpu.dma_semaphore, #tpu.memory_space<semaphore_mem>>) attributes {dimension_semantics = [#tpu.dimension_semantics<core_parallel>, #tpu.dimension_semantics<subcore_parallel>], iteration_bounds = array<i64: 2, 16>, scalar_prefetch = 0 : i64, scratch_operands = 15 : i64, tpu.core_type = #tpu.core_type<sc_vector_subcore>, window_params = [{transform_indices = #map}, {transform_indices = #map1}, {transform_indices = #map1}]} {
    %mul3A = arith.constant 2 : i32
    %mul3A_0 = arith.muli %arg1, %mul3A : i32
    %add3A = arith.addi %mul3A_0, %arg0 : i32
    %mul3A_1 = arith.constant 512 : i32
    %mul3A_2 = arith.muli %add3A, %mul3A_1 : i32
    %mul3A_3 = arith.constant 4 : i32
    %mul3A_4 = arith.muli %add3A, %mul3A_3 : i32
    %run_scoped3A = arith.constant 0 : i32
    "tpu.region"() ({
      %run_scoped3A_246 = tpu.sem_alloc : memref<!tpu.dma_semaphore, #tpu.memory_space<semaphore_mem>>
      %dma_start3A_247 = arith.constant 0 : i32
      %dma_start3A_248 = tpu.memref_slice %arg2[%run_scoped3A, %mul3A_4, %dma_start3A_247] : memref<2x128x128xi32, #tpu.memory_space<hbm>> -> memref<1x4x128xi32, #tpu.memory_space<hbm>>
      %dma_start3A_249 = tpu.memref_squeeze %dma_start3A_248 : memref<1x4x128xi32, #tpu.memory_space<hbm>> -> memref<4x128xi32, #tpu.memory_space<hbm>>
      %dma_start3A_250 = arith.constant 0 : i32
      %dma_start3A_251 = tpu.memref_slice %arg2[%run_scoped3A, %mul3A_4, %dma_start3A_250] : memref<2x128x128xi32, #tpu.memory_space<hbm>> -> memref<1x4x128xi32, #tpu.memory_space<hbm>>
      %dma_start3A_252 = tpu.memref_squeeze %dma_start3A_251 : memref<1x4x128xi32, #tpu.memory_space<hbm>> -> memref<4x128xi32, #tpu.memory_space<hbm>>
      tpu.enqueue_dma source(%dma_start3A_252 : memref<4x128xi32, #tpu.memory_space<hbm>>) target(%arg5 : memref<4x128xi32, #tpu.memory_space<vmem>>) target_semaphore(%run_scoped3A_246 : memref<!tpu.dma_semaphore, #tpu.memory_space<semaphore_mem>>)
      %dma_wait3A_253 = arith.constant 0 : i32
      %dma_wait3A_254 = tpu.memref_slice %arg2[%run_scoped3A, %mul3A_4, %dma_wait3A_253] : memref<2x128x128xi32, #tpu.memory_space<hbm>> -> memref<1x4x128xi32, #tpu.memory_space<hbm>>
      %dma_wait3A_255 = tpu.memref_squeeze %dma_wait3A_254 : memref<1x4x128xi32, #tpu.memory_space<hbm>> -> memref<4x128xi32, #tpu.memory_space<hbm>>
      %dma_wait3A_256 = arith.constant 0 : i32
      %dma_wait3A_257 = tpu.memref_slice %arg2[%run_scoped3A, %mul3A_4, %dma_wait3A_256] : memref<2x128x128xi32, #tpu.memory_space<hbm>> -> memref<1x4x128xi32, #tpu.memory_space<hbm>>
      %dma_wait3A_258 = tpu.memref_squeeze %dma_wait3A_257 : memref<1x4x128xi32, #tpu.memory_space<hbm>> -> memref<4x128xi32, #tpu.memory_space<hbm>>
      tpu.wait_dma2 semaphore(%run_scoped3A_246 : memref<!tpu.dma_semaphore, #tpu.memory_space<semaphore_mem>>) src(%dma_wait3A_258 : memref<4x128xi32, #tpu.memory_space<hbm>>) dst(%arg5 : memref<4x128xi32, #tpu.memory_space<vmem>>)
      tpu.yield
    }) : () -> ()
    %mul3A_5 = arith.constant 4 : i32
    %mul3A_6 = arith.muli %add3A, %mul3A_5 : i32
    %run_scoped3A_7 = arith.constant 1 : i32
    "tpu.region"() ({
      %run_scoped3A_246 = tpu.sem_alloc : memref<!tpu.dma_semaphore, #tpu.memory_space<semaphore_mem>>
      %dma_start3A_247 = arith.constant 0 : i32
      %dma_start3A_248 = tpu.memref_slice %arg2[%run_scoped3A_7, %mul3A_6, %dma_start3A_247] : memref<2x128x128xi32, #tpu.memory_space<hbm>> -> memref<1x4x128xi32, #tpu.memory_space<hbm>>
      %dma_start3A_249 = tpu.memref_squeeze %dma_start3A_248 : memref<1x4x128xi32, #tpu.memory_space<hbm>> -> memref<4x128xi32, #tpu.memory_space<hbm>>
      %dma_start3A_250 = arith.constant 0 : i32
      %dma_start3A_251 = tpu.memref_slice %arg2[%run_scoped3A_7, %mul3A_6, %dma_start3A_250] : memref<2x128x128xi32, #tpu.memory_space<hbm>> -> memref<1x4x128xi32, #tpu.memory_space<hbm>>
      %dma_start3A_252 = tpu.memref_squeeze %dma_start3A_251 : memref<1x4x128xi32, #tpu.memory_space<hbm>> -> memref<4x128xi32, #tpu.memory_space<hbm>>
      tpu.enqueue_dma source(%dma_start3A_252 : memref<4x128xi32, #tpu.memory_space<hbm>>) target(%arg6 : memref<4x128xi32, #tpu.memory_space<vmem>>) target_semaphore(%run_scoped3A_246 : memref<!tpu.dma_semaphore, #tpu.memory_space<semaphore_mem>>)
      %dma_wait3A_253 = arith.constant 0 : i32
      %dma_wait3A_254 = tpu.memref_slice %arg2[%run_scoped3A_7, %mul3A_6, %dma_wait3A_253] : memref<2x128x128xi32, #tpu.memory_space<hbm>> -> memref<1x4x128xi32, #tpu.memory_space<hbm>>
      %dma_wait3A_255 = tpu.memref_squeeze %dma_wait3A_254 : memref<1x4x128xi32, #tpu.memory_space<hbm>> -> memref<4x128xi32, #tpu.memory_space<hbm>>
      %dma_wait3A_256 = arith.constant 0 : i32
      %dma_wait3A_257 = tpu.memref_slice %arg2[%run_scoped3A_7, %mul3A_6, %dma_wait3A_256] : memref<2x128x128xi32, #tpu.memory_space<hbm>> -> memref<1x4x128xi32, #tpu.memory_space<hbm>>
      %dma_wait3A_258 = tpu.memref_squeeze %dma_wait3A_257 : memref<1x4x128xi32, #tpu.memory_space<hbm>> -> memref<4x128xi32, #tpu.memory_space<hbm>>
      tpu.wait_dma2 semaphore(%run_scoped3A_246 : memref<!tpu.dma_semaphore, #tpu.memory_space<semaphore_mem>>) src(%dma_wait3A_258 : memref<4x128xi32, #tpu.memory_space<hbm>>) dst(%arg6 : memref<4x128xi32, #tpu.memory_space<vmem>>)
      tpu.yield
    }) : () -> ()
    %dma_start3A = arith.constant 0 : i32
    %dma_start3A_8 = arith.constant 0 : i32
    %dma_start3A_9 = tpu.memref_slice %arg5[%dma_start3A, %dma_start3A_8] : memref<4x128xi32, #tpu.memory_space<vmem>> -> memref<1x128xi32, #tpu.memory_space<vmem>>
    %dma_start3A_10 = tpu.memref_squeeze %dma_start3A_9 : memref<1x128xi32, #tpu.memory_space<vmem>> -> memref<128xi32, #tpu.memory_space<vmem>>
    %dma_start3A_11 = arith.constant 0 : i32
    %dma_start3A_12 = arith.constant 0 : i32
    %dma_start3A_13 = tpu.memref_slice %arg3[%dma_start3A_11, %dma_start3A_12] : memref<100001x128xf32, #tpu.memory_space<hbm>> -> memref<100001x128xf32, #tpu.memory_space<hbm>>
    tpu.enqueue_indirect_dma source(%dma_start3A_13 : memref<100001x128xf32, #tpu.memory_space<hbm>>) target(%arg7 : memref<128x128xf32, #tpu.memory_space<vmem>>) offsets(%dma_start3A_10 : memref<128xi32, #tpu.memory_space<vmem>>) semaphore(%arg13 : memref<!tpu.dma_semaphore, #tpu.memory_space<semaphore_mem>>)
    %dma_start3A_14 = arith.constant 1 : i32
    %dma_start3A_15 = arith.constant 0 : i32
    %dma_start3A_16 = tpu.memref_slice %arg5[%dma_start3A_14, %dma_start3A_15] : memref<4x128xi32, #tpu.memory_space<vmem>> -> memref<1x128xi32, #tpu.memory_space<vmem>>
    %dma_start3A_17 = tpu.memref_squeeze %dma_start3A_16 : memref<1x128xi32, #tpu.memory_space<vmem>> -> memref<128xi32, #tpu.memory_space<vmem>>
    %dma_start3A_18 = arith.constant 0 : i32
    %dma_start3A_19 = arith.constant 0 : i32
    %dma_start3A_20 = tpu.memref_slice %arg3[%dma_start3A_18, %dma_start3A_19] : memref<100001x128xf32, #tpu.memory_space<hbm>> -> memref<100001x128xf32, #tpu.memory_space<hbm>>
    tpu.enqueue_indirect_dma source(%dma_start3A_20 : memref<100001x128xf32, #tpu.memory_space<hbm>>) target(%arg8 : memref<128x128xf32, #tpu.memory_space<vmem>>) offsets(%dma_start3A_17 : memref<128xi32, #tpu.memory_space<vmem>>) semaphore(%arg14 : memref<!tpu.dma_semaphore, #tpu.memory_space<semaphore_mem>>)
    %dma_start3A_21 = arith.constant 2 : i32
    %dma_start3A_22 = arith.constant 0 : i32
    %dma_start3A_23 = tpu.memref_slice %arg5[%dma_start3A_21, %dma_start3A_22] : memref<4x128xi32, #tpu.memory_space<vmem>> -> memref<1x128xi32, #tpu.memory_space<vmem>>
    %dma_start3A_24 = tpu.memref_squeeze %dma_start3A_23 : memref<1x128xi32, #tpu.memory_space<vmem>> -> memref<128xi32, #tpu.memory_space<vmem>>
    %dma_start3A_25 = arith.constant 0 : i32
    %dma_start3A_26 = arith.constant 0 : i32
    %dma_start3A_27 = tpu.memref_slice %arg3[%dma_start3A_25, %dma_start3A_26] : memref<100001x128xf32, #tpu.memory_space<hbm>> -> memref<100001x128xf32, #tpu.memory_space<hbm>>
    tpu.enqueue_indirect_dma source(%dma_start3A_27 : memref<100001x128xf32, #tpu.memory_space<hbm>>) target(%arg9 : memref<128x128xf32, #tpu.memory_space<vmem>>) offsets(%dma_start3A_24 : memref<128xi32, #tpu.memory_space<vmem>>) semaphore(%arg15 : memref<!tpu.dma_semaphore, #tpu.memory_space<semaphore_mem>>)
    %dma_start3A_28 = arith.constant 3 : i32
    %dma_start3A_29 = arith.constant 0 : i32
    %dma_start3A_30 = tpu.memref_slice %arg5[%dma_start3A_28, %dma_start3A_29] : memref<4x128xi32, #tpu.memory_space<vmem>> -> memref<1x128xi32, #tpu.memory_space<vmem>>
    %dma_start3A_31 = tpu.memref_squeeze %dma_start3A_30 : memref<1x128xi32, #tpu.memory_space<vmem>> -> memref<128xi32, #tpu.memory_space<vmem>>
    %dma_start3A_32 = arith.constant 0 : i32
    %dma_start3A_33 = arith.constant 0 : i32
    %dma_start3A_34 = tpu.memref_slice %arg3[%dma_start3A_32, %dma_start3A_33] : memref<100001x128xf32, #tpu.memory_space<hbm>> -> memref<100001x128xf32, #tpu.memory_space<hbm>>
    tpu.enqueue_indirect_dma source(%dma_start3A_34 : memref<100001x128xf32, #tpu.memory_space<hbm>>) target(%arg10 : memref<128x128xf32, #tpu.memory_space<vmem>>) offsets(%dma_start3A_31 : memref<128xi32, #tpu.memory_space<vmem>>) semaphore(%arg16 : memref<!tpu.dma_semaphore, #tpu.memory_space<semaphore_mem>>)
    %dma_start3A_35 = arith.constant 0 : i32
    %dma_start3A_36 = arith.constant 0 : i32
    %dma_start3A_37 = tpu.memref_slice %arg6[%dma_start3A_35, %dma_start3A_36] : memref<4x128xi32, #tpu.memory_space<vmem>> -> memref<1x128xi32, #tpu.memory_space<vmem>>
    %dma_start3A_38 = tpu.memref_squeeze %dma_start3A_37 : memref<1x128xi32, #tpu.memory_space<vmem>> -> memref<128xi32, #tpu.memory_space<vmem>>
    %dma_start3A_39 = arith.constant 0 : i32
    %dma_start3A_40 = arith.constant 0 : i32
    %dma_start3A_41 = tpu.memref_slice %arg3[%dma_start3A_39, %dma_start3A_40] : memref<100001x128xf32, #tpu.memory_space<hbm>> -> memref<100001x128xf32, #tpu.memory_space<hbm>>
    tpu.enqueue_indirect_dma source(%dma_start3A_41 : memref<100001x128xf32, #tpu.memory_space<hbm>>) target(%arg11 : memref<128x128xf32, #tpu.memory_space<vmem>>) offsets(%dma_start3A_38 : memref<128xi32, #tpu.memory_space<vmem>>) semaphore(%arg17 : memref<!tpu.dma_semaphore, #tpu.memory_space<semaphore_mem>>)
    %dma_start3A_42 = arith.constant 1 : i32
    %dma_start3A_43 = arith.constant 0 : i32
    %dma_start3A_44 = tpu.memref_slice %arg6[%dma_start3A_42, %dma_start3A_43] : memref<4x128xi32, #tpu.memory_space<vmem>> -> memref<1x128xi32, #tpu.memory_space<vmem>>
    %dma_start3A_45 = tpu.memref_squeeze %dma_start3A_44 : memref<1x128xi32, #tpu.memory_space<vmem>> -> memref<128xi32, #tpu.memory_space<vmem>>
    %dma_start3A_46 = arith.constant 0 : i32
    %dma_start3A_47 = arith.constant 0 : i32
    %dma_start3A_48 = tpu.memref_slice %arg3[%dma_start3A_46, %dma_start3A_47] : memref<100001x128xf32, #tpu.memory_space<hbm>> -> memref<100001x128xf32, #tpu.memory_space<hbm>>
    tpu.enqueue_indirect_dma source(%dma_start3A_48 : memref<100001x128xf32, #tpu.memory_space<hbm>>) target(%arg12 : memref<128x128xf32, #tpu.memory_space<vmem>>) offsets(%dma_start3A_45 : memref<128xi32, #tpu.memory_space<vmem>>) semaphore(%arg18 : memref<!tpu.dma_semaphore, #tpu.memory_space<semaphore_mem>>)
    %dma_wait3A = arith.constant 0 : i32
    %dma_wait3A_49 = arith.constant 0 : i32
    %dma_wait3A_50 = tpu.memref_slice %arg5[%dma_wait3A, %dma_wait3A_49] : memref<4x128xi32, #tpu.memory_space<vmem>> -> memref<1x128xi32, #tpu.memory_space<vmem>>
    %dma_wait3A_51 = tpu.memref_squeeze %dma_wait3A_50 : memref<1x128xi32, #tpu.memory_space<vmem>> -> memref<128xi32, #tpu.memory_space<vmem>>
    %dma_wait3A_52 = arith.constant 0 : i32
    %dma_wait3A_53 = arith.constant 0 : i32
    %dma_wait3A_54 = tpu.memref_slice %arg3[%dma_wait3A_52, %dma_wait3A_53] : memref<100001x128xf32, #tpu.memory_space<hbm>> -> memref<100001x128xf32, #tpu.memory_space<hbm>>
    tpu.wait_indirect_dma semaphore(%arg13 : memref<!tpu.dma_semaphore, #tpu.memory_space<semaphore_mem>>) src(%dma_wait3A_54 : memref<100001x128xf32, #tpu.memory_space<hbm>>) dst(%arg7 : memref<128x128xf32, #tpu.memory_space<vmem>>)
    %add3A_55 = arith.constant 0 : i32
    %add3A_56 = arith.addi %mul3A_2, %add3A_55 : i32
    %dma_start3A_57 = arith.constant 0 : i32
    %dma_start3A_58 = tpu.memref_slice %arg4[%add3A_56, %dma_start3A_57] : memref<16384x128xf32, #tpu.memory_space<hbm>> -> memref<128x128xf32, #tpu.memory_space<hbm>>
    %dma_start3A_59 = arith.constant 0 : i32
    %dma_start3A_60 = tpu.memref_slice %arg4[%add3A_56, %dma_start3A_59] : memref<16384x128xf32, #tpu.memory_space<hbm>> -> memref<128x128xf32, #tpu.memory_space<hbm>>
    tpu.enqueue_dma source(%arg7 : memref<128x128xf32, #tpu.memory_space<vmem>>) target(%dma_start3A_60 : memref<128x128xf32, #tpu.memory_space<hbm>>) target_semaphore(%arg19 : memref<!tpu.dma_semaphore, #tpu.memory_space<semaphore_mem>>)
    %dma_wait3A_61 = arith.constant 1 : i32
    %dma_wait3A_62 = arith.constant 0 : i32
    %dma_wait3A_63 = tpu.memref_slice %arg5[%dma_wait3A_61, %dma_wait3A_62] : memref<4x128xi32, #tpu.memory_space<vmem>> -> memref<1x128xi32, #tpu.memory_space<vmem>>
    %dma_wait3A_64 = tpu.memref_squeeze %dma_wait3A_63 : memref<1x128xi32, #tpu.memory_space<vmem>> -> memref<128xi32, #tpu.memory_space<vmem>>
    %dma_wait3A_65 = arith.constant 0 : i32
    %dma_wait3A_66 = arith.constant 0 : i32
    %dma_wait3A_67 = tpu.memref_slice %arg3[%dma_wait3A_65, %dma_wait3A_66] : memref<100001x128xf32, #tpu.memory_space<hbm>> -> memref<100001x128xf32, #tpu.memory_space<hbm>>
    tpu.wait_indirect_dma semaphore(%arg14 : memref<!tpu.dma_semaphore, #tpu.memory_space<semaphore_mem>>) src(%dma_wait3A_67 : memref<100001x128xf32, #tpu.memory_space<hbm>>) dst(%arg8 : memref<128x128xf32, #tpu.memory_space<vmem>>)
    %add3A_68 = arith.constant 128 : i32
    %add3A_69 = arith.addi %mul3A_2, %add3A_68 : i32
    %dma_start3A_70 = arith.constant 0 : i32
    %dma_start3A_71 = tpu.memref_slice %arg4[%add3A_69, %dma_start3A_70] : memref<16384x128xf32, #tpu.memory_space<hbm>> -> memref<128x128xf32, #tpu.memory_space<hbm>>
    %dma_start3A_72 = arith.constant 0 : i32
    %dma_start3A_73 = tpu.memref_slice %arg4[%add3A_69, %dma_start3A_72] : memref<16384x128xf32, #tpu.memory_space<hbm>> -> memref<128x128xf32, #tpu.memory_space<hbm>>
    tpu.enqueue_dma source(%arg8 : memref<128x128xf32, #tpu.memory_space<vmem>>) target(%dma_start3A_73 : memref<128x128xf32, #tpu.memory_space<hbm>>) target_semaphore(%arg19 : memref<!tpu.dma_semaphore, #tpu.memory_space<semaphore_mem>>)
    %dma_wait3A_74 = arith.constant 2 : i32
    %dma_wait3A_75 = arith.constant 0 : i32
    %dma_wait3A_76 = tpu.memref_slice %arg5[%dma_wait3A_74, %dma_wait3A_75] : memref<4x128xi32, #tpu.memory_space<vmem>> -> memref<1x128xi32, #tpu.memory_space<vmem>>
    %dma_wait3A_77 = tpu.memref_squeeze %dma_wait3A_76 : memref<1x128xi32, #tpu.memory_space<vmem>> -> memref<128xi32, #tpu.memory_space<vmem>>
    %dma_wait3A_78 = arith.constant 0 : i32
    %dma_wait3A_79 = arith.constant 0 : i32
    %dma_wait3A_80 = tpu.memref_slice %arg3[%dma_wait3A_78, %dma_wait3A_79] : memref<100001x128xf32, #tpu.memory_space<hbm>> -> memref<100001x128xf32, #tpu.memory_space<hbm>>
    tpu.wait_indirect_dma semaphore(%arg15 : memref<!tpu.dma_semaphore, #tpu.memory_space<semaphore_mem>>) src(%dma_wait3A_80 : memref<100001x128xf32, #tpu.memory_space<hbm>>) dst(%arg9 : memref<128x128xf32, #tpu.memory_space<vmem>>)
    %add3A_81 = arith.constant 256 : i32
    %add3A_82 = arith.addi %mul3A_2, %add3A_81 : i32
    %dma_start3A_83 = arith.constant 0 : i32
    %dma_start3A_84 = tpu.memref_slice %arg4[%add3A_82, %dma_start3A_83] : memref<16384x128xf32, #tpu.memory_space<hbm>> -> memref<128x128xf32, #tpu.memory_space<hbm>>
    %dma_start3A_85 = arith.constant 0 : i32
    %dma_start3A_86 = tpu.memref_slice %arg4[%add3A_82, %dma_start3A_85] : memref<16384x128xf32, #tpu.memory_space<hbm>> -> memref<128x128xf32, #tpu.memory_space<hbm>>
    tpu.enqueue_dma source(%arg9 : memref<128x128xf32, #tpu.memory_space<vmem>>) target(%dma_start3A_86 : memref<128x128xf32, #tpu.memory_space<hbm>>) target_semaphore(%arg19 : memref<!tpu.dma_semaphore, #tpu.memory_space<semaphore_mem>>)
    %dma_wait3A_87 = arith.constant 3 : i32
    %dma_wait3A_88 = arith.constant 0 : i32
    %dma_wait3A_89 = tpu.memref_slice %arg5[%dma_wait3A_87, %dma_wait3A_88] : memref<4x128xi32, #tpu.memory_space<vmem>> -> memref<1x128xi32, #tpu.memory_space<vmem>>
    %dma_wait3A_90 = tpu.memref_squeeze %dma_wait3A_89 : memref<1x128xi32, #tpu.memory_space<vmem>> -> memref<128xi32, #tpu.memory_space<vmem>>
    %dma_wait3A_91 = arith.constant 0 : i32
    %dma_wait3A_92 = arith.constant 0 : i32
    %dma_wait3A_93 = tpu.memref_slice %arg3[%dma_wait3A_91, %dma_wait3A_92] : memref<100001x128xf32, #tpu.memory_space<hbm>> -> memref<100001x128xf32, #tpu.memory_space<hbm>>
    tpu.wait_indirect_dma semaphore(%arg16 : memref<!tpu.dma_semaphore, #tpu.memory_space<semaphore_mem>>) src(%dma_wait3A_93 : memref<100001x128xf32, #tpu.memory_space<hbm>>) dst(%arg10 : memref<128x128xf32, #tpu.memory_space<vmem>>)
    %add3A_94 = arith.constant 384 : i32
    %add3A_95 = arith.addi %mul3A_2, %add3A_94 : i32
    %dma_start3A_96 = arith.constant 0 : i32
    %dma_start3A_97 = tpu.memref_slice %arg4[%add3A_95, %dma_start3A_96] : memref<16384x128xf32, #tpu.memory_space<hbm>> -> memref<128x128xf32, #tpu.memory_space<hbm>>
    %dma_start3A_98 = arith.constant 0 : i32
    %dma_start3A_99 = tpu.memref_slice %arg4[%add3A_95, %dma_start3A_98] : memref<16384x128xf32, #tpu.memory_space<hbm>> -> memref<128x128xf32, #tpu.memory_space<hbm>>
    tpu.enqueue_dma source(%arg10 : memref<128x128xf32, #tpu.memory_space<vmem>>) target(%dma_start3A_99 : memref<128x128xf32, #tpu.memory_space<hbm>>) target_semaphore(%arg19 : memref<!tpu.dma_semaphore, #tpu.memory_space<semaphore_mem>>)
    %dma_wait3A_100 = arith.constant 0 : i32
    %dma_wait3A_101 = tpu.memref_slice %arg4[%add3A_56, %dma_wait3A_100] : memref<16384x128xf32, #tpu.memory_space<hbm>> -> memref<128x128xf32, #tpu.memory_space<hbm>>
    %dma_wait3A_102 = arith.constant 0 : i32
    %dma_wait3A_103 = tpu.memref_slice %arg4[%add3A_56, %dma_wait3A_102] : memref<16384x128xf32, #tpu.memory_space<hbm>> -> memref<128x128xf32, #tpu.memory_space<hbm>>
    tpu.wait_dma2 semaphore(%arg19 : memref<!tpu.dma_semaphore, #tpu.memory_space<semaphore_mem>>) src(%arg7 : memref<128x128xf32, #tpu.memory_space<vmem>>) dst(%dma_wait3A_103 : memref<128x128xf32, #tpu.memory_space<hbm>>)
    %dma_wait3A_104 = arith.constant 0 : i32
    %dma_wait3A_105 = tpu.memref_slice %arg4[%add3A_69, %dma_wait3A_104] : memref<16384x128xf32, #tpu.memory_space<hbm>> -> memref<128x128xf32, #tpu.memory_space<hbm>>
    %dma_wait3A_106 = arith.constant 0 : i32
    %dma_wait3A_107 = tpu.memref_slice %arg4[%add3A_69, %dma_wait3A_106] : memref<16384x128xf32, #tpu.memory_space<hbm>> -> memref<128x128xf32, #tpu.memory_space<hbm>>
    tpu.wait_dma2 semaphore(%arg19 : memref<!tpu.dma_semaphore, #tpu.memory_space<semaphore_mem>>) src(%arg8 : memref<128x128xf32, #tpu.memory_space<vmem>>) dst(%dma_wait3A_107 : memref<128x128xf32, #tpu.memory_space<hbm>>)
    %dma_wait3A_108 = arith.constant 0 : i32
    %dma_wait3A_109 = tpu.memref_slice %arg4[%add3A_82, %dma_wait3A_108] : memref<16384x128xf32, #tpu.memory_space<hbm>> -> memref<128x128xf32, #tpu.memory_space<hbm>>
    %dma_wait3A_110 = arith.constant 0 : i32
    %dma_wait3A_111 = tpu.memref_slice %arg4[%add3A_82, %dma_wait3A_110] : memref<16384x128xf32, #tpu.memory_space<hbm>> -> memref<128x128xf32, #tpu.memory_space<hbm>>
    tpu.wait_dma2 semaphore(%arg19 : memref<!tpu.dma_semaphore, #tpu.memory_space<semaphore_mem>>) src(%arg9 : memref<128x128xf32, #tpu.memory_space<vmem>>) dst(%dma_wait3A_111 : memref<128x128xf32, #tpu.memory_space<hbm>>)
    %dma_wait3A_112 = arith.constant 0 : i32
    %dma_wait3A_113 = tpu.memref_slice %arg4[%add3A_95, %dma_wait3A_112] : memref<16384x128xf32, #tpu.memory_space<hbm>> -> memref<128x128xf32, #tpu.memory_space<hbm>>
    %dma_wait3A_114 = arith.constant 0 : i32
    %dma_wait3A_115 = tpu.memref_slice %arg4[%add3A_95, %dma_wait3A_114] : memref<16384x128xf32, #tpu.memory_space<hbm>> -> memref<128x128xf32, #tpu.memory_space<hbm>>
    tpu.wait_dma2 semaphore(%arg19 : memref<!tpu.dma_semaphore, #tpu.memory_space<semaphore_mem>>) src(%arg10 : memref<128x128xf32, #tpu.memory_space<vmem>>) dst(%dma_wait3A_115 : memref<128x128xf32, #tpu.memory_space<hbm>>)
    %dma_start3A_116 = arith.constant 2 : i32
    %dma_start3A_117 = arith.constant 0 : i32
    %dma_start3A_118 = tpu.memref_slice %arg6[%dma_start3A_116, %dma_start3A_117] : memref<4x128xi32, #tpu.memory_space<vmem>> -> memref<1x128xi32, #tpu.memory_space<vmem>>
    %dma_start3A_119 = tpu.memref_squeeze %dma_start3A_118 : memref<1x128xi32, #tpu.memory_space<vmem>> -> memref<128xi32, #tpu.memory_space<vmem>>
    %dma_start3A_120 = arith.constant 0 : i32
    %dma_start3A_121 = arith.constant 0 : i32
    %dma_start3A_122 = tpu.memref_slice %arg3[%dma_start3A_120, %dma_start3A_121] : memref<100001x128xf32, #tpu.memory_space<hbm>> -> memref<100001x128xf32, #tpu.memory_space<hbm>>
    tpu.enqueue_indirect_dma source(%dma_start3A_122 : memref<100001x128xf32, #tpu.memory_space<hbm>>) target(%arg7 : memref<128x128xf32, #tpu.memory_space<vmem>>) offsets(%dma_start3A_119 : memref<128xi32, #tpu.memory_space<vmem>>) semaphore(%arg13 : memref<!tpu.dma_semaphore, #tpu.memory_space<semaphore_mem>>)
    %dma_start3A_123 = arith.constant 3 : i32
    %dma_start3A_124 = arith.constant 0 : i32
    %dma_start3A_125 = tpu.memref_slice %arg6[%dma_start3A_123, %dma_start3A_124] : memref<4x128xi32, #tpu.memory_space<vmem>> -> memref<1x128xi32, #tpu.memory_space<vmem>>
    %dma_start3A_126 = tpu.memref_squeeze %dma_start3A_125 : memref<1x128xi32, #tpu.memory_space<vmem>> -> memref<128xi32, #tpu.memory_space<vmem>>
    %dma_start3A_127 = arith.constant 0 : i32
    %dma_start3A_128 = arith.constant 0 : i32
    %dma_start3A_129 = tpu.memref_slice %arg3[%dma_start3A_127, %dma_start3A_128] : memref<100001x128xf32, #tpu.memory_space<hbm>> -> memref<100001x128xf32, #tpu.memory_space<hbm>>
    tpu.enqueue_indirect_dma source(%dma_start3A_129 : memref<100001x128xf32, #tpu.memory_space<hbm>>) target(%arg8 : memref<128x128xf32, #tpu.memory_space<vmem>>) offsets(%dma_start3A_126 : memref<128xi32, #tpu.memory_space<vmem>>) semaphore(%arg14 : memref<!tpu.dma_semaphore, #tpu.memory_space<semaphore_mem>>)
    %dma_wait3A_130 = arith.constant 0 : i32
    %dma_wait3A_131 = arith.constant 0 : i32
    %dma_wait3A_132 = tpu.memref_slice %arg6[%dma_wait3A_130, %dma_wait3A_131] : memref<4x128xi32, #tpu.memory_space<vmem>> -> memref<1x128xi32, #tpu.memory_space<vmem>>
    %dma_wait3A_133 = tpu.memref_squeeze %dma_wait3A_132 : memref<1x128xi32, #tpu.memory_space<vmem>> -> memref<128xi32, #tpu.memory_space<vmem>>
    %dma_wait3A_134 = arith.constant 0 : i32
    %dma_wait3A_135 = arith.constant 0 : i32
    %dma_wait3A_136 = tpu.memref_slice %arg3[%dma_wait3A_134, %dma_wait3A_135] : memref<100001x128xf32, #tpu.memory_space<hbm>> -> memref<100001x128xf32, #tpu.memory_space<hbm>>
    tpu.wait_indirect_dma semaphore(%arg17 : memref<!tpu.dma_semaphore, #tpu.memory_space<semaphore_mem>>) src(%dma_wait3A_136 : memref<100001x128xf32, #tpu.memory_space<hbm>>) dst(%arg11 : memref<128x128xf32, #tpu.memory_space<vmem>>)
    %add3A_137 = arith.constant 0 : i32
    %add3A_138 = arith.addi %mul3A_2, %add3A_137 : i32
    %dma_start3A_139 = arith.constant 0 : i32
    %dma_start3A_140 = arith.constant 64 : i32
    %dma_start3A_141 = tpu.memref_slice %arg11[%dma_start3A_139, %dma_start3A_140] : memref<128x128xf32, #tpu.memory_space<vmem>> -> memref<128x64xf32, #tpu.memory_space<vmem>>
    %dma_start3A_142 = arith.constant 64 : i32
    %dma_start3A_143 = tpu.memref_slice %arg4[%add3A_138, %dma_start3A_142] : memref<16384x128xf32, #tpu.memory_space<hbm>> -> memref<128x64xf32, #tpu.memory_space<hbm>>
    %dma_start3A_144 = arith.constant 64 : i32
    %dma_start3A_145 = tpu.memref_slice %arg4[%add3A_138, %dma_start3A_144] : memref<16384x128xf32, #tpu.memory_space<hbm>> -> memref<128x64xf32, #tpu.memory_space<hbm>>
    %dma_start3A_146 = arith.constant 0 : i32
    %dma_start3A_147 = arith.constant 64 : i32
    %dma_start3A_148 = tpu.memref_slice %arg11[%dma_start3A_146, %dma_start3A_147] : memref<128x128xf32, #tpu.memory_space<vmem>> -> memref<128x64xf32, #tpu.memory_space<vmem>>
    tpu.enqueue_dma source(%dma_start3A_148 : memref<128x64xf32, #tpu.memory_space<vmem>>) target(%dma_start3A_145 : memref<128x64xf32, #tpu.memory_space<hbm>>) target_semaphore(%arg19 : memref<!tpu.dma_semaphore, #tpu.memory_space<semaphore_mem>>)
    %dma_wait3A_149 = arith.constant 1 : i32
    %dma_wait3A_150 = arith.constant 0 : i32
    %dma_wait3A_151 = tpu.memref_slice %arg6[%dma_wait3A_149, %dma_wait3A_150] : memref<4x128xi32, #tpu.memory_space<vmem>> -> memref<1x128xi32, #tpu.memory_space<vmem>>
    %dma_wait3A_152 = tpu.memref_squeeze %dma_wait3A_151 : memref<1x128xi32, #tpu.memory_space<vmem>> -> memref<128xi32, #tpu.memory_space<vmem>>
    %dma_wait3A_153 = arith.constant 0 : i32
    %dma_wait3A_154 = arith.constant 0 : i32
    %dma_wait3A_155 = tpu.memref_slice %arg3[%dma_wait3A_153, %dma_wait3A_154] : memref<100001x128xf32, #tpu.memory_space<hbm>> -> memref<100001x128xf32, #tpu.memory_space<hbm>>
    tpu.wait_indirect_dma semaphore(%arg18 : memref<!tpu.dma_semaphore, #tpu.memory_space<semaphore_mem>>) src(%dma_wait3A_155 : memref<100001x128xf32, #tpu.memory_space<hbm>>) dst(%arg12 : memref<128x128xf32, #tpu.memory_space<vmem>>)
    %add3A_156 = arith.constant 128 : i32
    %add3A_157 = arith.addi %mul3A_2, %add3A_156 : i32
    %dma_start3A_158 = arith.constant 0 : i32
    %dma_start3A_159 = arith.constant 64 : i32
    %dma_start3A_160 = tpu.memref_slice %arg12[%dma_start3A_158, %dma_start3A_159] : memref<128x128xf32, #tpu.memory_space<vmem>> -> memref<128x64xf32, #tpu.memory_space<vmem>>
    %dma_start3A_161 = arith.constant 64 : i32
    %dma_start3A_162 = tpu.memref_slice %arg4[%add3A_157, %dma_start3A_161] : memref<16384x128xf32, #tpu.memory_space<hbm>> -> memref<128x64xf32, #tpu.memory_space<hbm>>
    %dma_start3A_163 = arith.constant 64 : i32
    %dma_start3A_164 = tpu.memref_slice %arg4[%add3A_157, %dma_start3A_163] : memref<16384x128xf32, #tpu.memory_space<hbm>> -> memref<128x64xf32, #tpu.memory_space<hbm>>
    %dma_start3A_165 = arith.constant 0 : i32
    %dma_start3A_166 = arith.constant 64 : i32
    %dma_start3A_167 = tpu.memref_slice %arg12[%dma_start3A_165, %dma_start3A_166] : memref<128x128xf32, #tpu.memory_space<vmem>> -> memref<128x64xf32, #tpu.memory_space<vmem>>
    tpu.enqueue_dma source(%dma_start3A_167 : memref<128x64xf32, #tpu.memory_space<vmem>>) target(%dma_start3A_164 : memref<128x64xf32, #tpu.memory_space<hbm>>) target_semaphore(%arg19 : memref<!tpu.dma_semaphore, #tpu.memory_space<semaphore_mem>>)
    %dma_wait3A_168 = arith.constant 2 : i32
    %dma_wait3A_169 = arith.constant 0 : i32
    %dma_wait3A_170 = tpu.memref_slice %arg6[%dma_wait3A_168, %dma_wait3A_169] : memref<4x128xi32, #tpu.memory_space<vmem>> -> memref<1x128xi32, #tpu.memory_space<vmem>>
    %dma_wait3A_171 = tpu.memref_squeeze %dma_wait3A_170 : memref<1x128xi32, #tpu.memory_space<vmem>> -> memref<128xi32, #tpu.memory_space<vmem>>
    %dma_wait3A_172 = arith.constant 0 : i32
    %dma_wait3A_173 = arith.constant 0 : i32
    %dma_wait3A_174 = tpu.memref_slice %arg3[%dma_wait3A_172, %dma_wait3A_173] : memref<100001x128xf32, #tpu.memory_space<hbm>> -> memref<100001x128xf32, #tpu.memory_space<hbm>>
    tpu.wait_indirect_dma semaphore(%arg13 : memref<!tpu.dma_semaphore, #tpu.memory_space<semaphore_mem>>) src(%dma_wait3A_174 : memref<100001x128xf32, #tpu.memory_space<hbm>>) dst(%arg7 : memref<128x128xf32, #tpu.memory_space<vmem>>)
    %add3A_175 = arith.constant 256 : i32
    %add3A_176 = arith.addi %mul3A_2, %add3A_175 : i32
    %dma_start3A_177 = arith.constant 0 : i32
    %dma_start3A_178 = arith.constant 64 : i32
    %dma_start3A_179 = tpu.memref_slice %arg7[%dma_start3A_177, %dma_start3A_178] : memref<128x128xf32, #tpu.memory_space<vmem>> -> memref<128x64xf32, #tpu.memory_space<vmem>>
    %dma_start3A_180 = arith.constant 64 : i32
    %dma_start3A_181 = tpu.memref_slice %arg4[%add3A_176, %dma_start3A_180] : memref<16384x128xf32, #tpu.memory_space<hbm>> -> memref<128x64xf32, #tpu.memory_space<hbm>>
    %dma_start3A_182 = arith.constant 64 : i32
    %dma_start3A_183 = tpu.memref_slice %arg4[%add3A_176, %dma_start3A_182] : memref<16384x128xf32, #tpu.memory_space<hbm>> -> memref<128x64xf32, #tpu.memory_space<hbm>>
    %dma_start3A_184 = arith.constant 0 : i32
    %dma_start3A_185 = arith.constant 64 : i32
    %dma_start3A_186 = tpu.memref_slice %arg7[%dma_start3A_184, %dma_start3A_185] : memref<128x128xf32, #tpu.memory_space<vmem>> -> memref<128x64xf32, #tpu.memory_space<vmem>>
    tpu.enqueue_dma source(%dma_start3A_186 : memref<128x64xf32, #tpu.memory_space<vmem>>) target(%dma_start3A_183 : memref<128x64xf32, #tpu.memory_space<hbm>>) target_semaphore(%arg19 : memref<!tpu.dma_semaphore, #tpu.memory_space<semaphore_mem>>)
    %dma_wait3A_187 = arith.constant 3 : i32
    %dma_wait3A_188 = arith.constant 0 : i32
    %dma_wait3A_189 = tpu.memref_slice %arg6[%dma_wait3A_187, %dma_wait3A_188] : memref<4x128xi32, #tpu.memory_space<vmem>> -> memref<1x128xi32, #tpu.memory_space<vmem>>
    %dma_wait3A_190 = tpu.memref_squeeze %dma_wait3A_189 : memref<1x128xi32, #tpu.memory_space<vmem>> -> memref<128xi32, #tpu.memory_space<vmem>>
    %dma_wait3A_191 = arith.constant 0 : i32
    %dma_wait3A_192 = arith.constant 0 : i32
    %dma_wait3A_193 = tpu.memref_slice %arg3[%dma_wait3A_191, %dma_wait3A_192] : memref<100001x128xf32, #tpu.memory_space<hbm>> -> memref<100001x128xf32, #tpu.memory_space<hbm>>
    tpu.wait_indirect_dma semaphore(%arg14 : memref<!tpu.dma_semaphore, #tpu.memory_space<semaphore_mem>>) src(%dma_wait3A_193 : memref<100001x128xf32, #tpu.memory_space<hbm>>) dst(%arg8 : memref<128x128xf32, #tpu.memory_space<vmem>>)
    %add3A_194 = arith.constant 384 : i32
    %add3A_195 = arith.addi %mul3A_2, %add3A_194 : i32
    %dma_start3A_196 = arith.constant 0 : i32
    %dma_start3A_197 = arith.constant 64 : i32
    %dma_start3A_198 = tpu.memref_slice %arg8[%dma_start3A_196, %dma_start3A_197] : memref<128x128xf32, #tpu.memory_space<vmem>> -> memref<128x64xf32, #tpu.memory_space<vmem>>
    %dma_start3A_199 = arith.constant 64 : i32
    %dma_start3A_200 = tpu.memref_slice %arg4[%add3A_195, %dma_start3A_199] : memref<16384x128xf32, #tpu.memory_space<hbm>> -> memref<128x64xf32, #tpu.memory_space<hbm>>
    %dma_start3A_201 = arith.constant 64 : i32
    %dma_start3A_202 = tpu.memref_slice %arg4[%add3A_195, %dma_start3A_201] : memref<16384x128xf32, #tpu.memory_space<hbm>> -> memref<128x64xf32, #tpu.memory_space<hbm>>
    %dma_start3A_203 = arith.constant 0 : i32
    %dma_start3A_204 = arith.constant 64 : i32
    %dma_start3A_205 = tpu.memref_slice %arg8[%dma_start3A_203, %dma_start3A_204] : memref<128x128xf32, #tpu.memory_space<vmem>> -> memref<128x64xf32, #tpu.memory_space<vmem>>
    tpu.enqueue_dma source(%dma_start3A_205 : memref<128x64xf32, #tpu.memory_space<vmem>>) target(%dma_start3A_202 : memref<128x64xf32, #tpu.memory_space<hbm>>) target_semaphore(%arg19 : memref<!tpu.dma_semaphore, #tpu.memory_space<semaphore_mem>>)
    %dma_wait3A_206 = arith.constant 0 : i32
    %dma_wait3A_207 = arith.constant 64 : i32
    %dma_wait3A_208 = tpu.memref_slice %arg11[%dma_wait3A_206, %dma_wait3A_207] : memref<128x128xf32, #tpu.memory_space<vmem>> -> memref<128x64xf32, #tpu.memory_space<vmem>>
    %dma_wait3A_209 = arith.constant 64 : i32
    %dma_wait3A_210 = tpu.memref_slice %arg4[%add3A_138, %dma_wait3A_209] : memref<16384x128xf32, #tpu.memory_space<hbm>> -> memref<128x64xf32, #tpu.memory_space<hbm>>
    %dma_wait3A_211 = arith.constant 64 : i32
    %dma_wait3A_212 = tpu.memref_slice %arg4[%add3A_138, %dma_wait3A_211] : memref<16384x128xf32, #tpu.memory_space<hbm>> -> memref<128x64xf32, #tpu.memory_space<hbm>>
    %dma_wait3A_213 = arith.constant 0 : i32
    %dma_wait3A_214 = arith.constant 64 : i32
    %dma_wait3A_215 = tpu.memref_slice %arg11[%dma_wait3A_213, %dma_wait3A_214] : memref<128x128xf32, #tpu.memory_space<vmem>> -> memref<128x64xf32, #tpu.memory_space<vmem>>
    tpu.wait_dma2 semaphore(%arg19 : memref<!tpu.dma_semaphore, #tpu.memory_space<semaphore_mem>>) src(%dma_wait3A_215 : memref<128x64xf32, #tpu.memory_space<vmem>>) dst(%dma_wait3A_212 : memref<128x64xf32, #tpu.memory_space<hbm>>)
    %dma_wait3A_216 = arith.constant 0 : i32
    %dma_wait3A_217 = arith.constant 64 : i32
    %dma_wait3A_218 = tpu.memref_slice %arg12[%dma_wait3A_216, %dma_wait3A_217] : memref<128x128xf32, #tpu.memory_space<vmem>> -> memref<128x64xf32, #tpu.memory_space<vmem>>
    %dma_wait3A_219 = arith.constant 64 : i32
    %dma_wait3A_220 = tpu.memref_slice %arg4[%add3A_157, %dma_wait3A_219] : memref<16384x128xf32, #tpu.memory_space<hbm>> -> memref<128x64xf32, #tpu.memory_space<hbm>>
    %dma_wait3A_221 = arith.constant 64 : i32
    %dma_wait3A_222 = tpu.memref_slice %arg4[%add3A_157, %dma_wait3A_221] : memref<16384x128xf32, #tpu.memory_space<hbm>> -> memref<128x64xf32, #tpu.memory_space<hbm>>
    %dma_wait3A_223 = arith.constant 0 : i32
    %dma_wait3A_224 = arith.constant 64 : i32
    %dma_wait3A_225 = tpu.memref_slice %arg12[%dma_wait3A_223, %dma_wait3A_224] : memref<128x128xf32, #tpu.memory_space<vmem>> -> memref<128x64xf32, #tpu.memory_space<vmem>>
    tpu.wait_dma2 semaphore(%arg19 : memref<!tpu.dma_semaphore, #tpu.memory_space<semaphore_mem>>) src(%dma_wait3A_225 : memref<128x64xf32, #tpu.memory_space<vmem>>) dst(%dma_wait3A_222 : memref<128x64xf32, #tpu.memory_space<hbm>>)
    %dma_wait3A_226 = arith.constant 0 : i32
    %dma_wait3A_227 = arith.constant 64 : i32
    %dma_wait3A_228 = tpu.memref_slice %arg7[%dma_wait3A_226, %dma_wait3A_227] : memref<128x128xf32, #tpu.memory_space<vmem>> -> memref<128x64xf32, #tpu.memory_space<vmem>>
    %dma_wait3A_229 = arith.constant 64 : i32
    %dma_wait3A_230 = tpu.memref_slice %arg4[%add3A_176, %dma_wait3A_229] : memref<16384x128xf32, #tpu.memory_space<hbm>> -> memref<128x64xf32, #tpu.memory_space<hbm>>
    %dma_wait3A_231 = arith.constant 64 : i32
    %dma_wait3A_232 = tpu.memref_slice %arg4[%add3A_176, %dma_wait3A_231] : memref<16384x128xf32, #tpu.memory_space<hbm>> -> memref<128x64xf32, #tpu.memory_space<hbm>>
    %dma_wait3A_233 = arith.constant 0 : i32
    %dma_wait3A_234 = arith.constant 64 : i32
    %dma_wait3A_235 = tpu.memref_slice %arg7[%dma_wait3A_233, %dma_wait3A_234] : memref<128x128xf32, #tpu.memory_space<vmem>> -> memref<128x64xf32, #tpu.memory_space<vmem>>
    tpu.wait_dma2 semaphore(%arg19 : memref<!tpu.dma_semaphore, #tpu.memory_space<semaphore_mem>>) src(%dma_wait3A_235 : memref<128x64xf32, #tpu.memory_space<vmem>>) dst(%dma_wait3A_232 : memref<128x64xf32, #tpu.memory_space<hbm>>)
    %dma_wait3A_236 = arith.constant 0 : i32
    %dma_wait3A_237 = arith.constant 64 : i32
    %dma_wait3A_238 = tpu.memref_slice %arg8[%dma_wait3A_236, %dma_wait3A_237] : memref<128x128xf32, #tpu.memory_space<vmem>> -> memref<128x64xf32, #tpu.memory_space<vmem>>
    %dma_wait3A_239 = arith.constant 64 : i32
    %dma_wait3A_240 = tpu.memref_slice %arg4[%add3A_195, %dma_wait3A_239] : memref<16384x128xf32, #tpu.memory_space<hbm>> -> memref<128x64xf32, #tpu.memory_space<hbm>>
    %dma_wait3A_241 = arith.constant 64 : i32
    %dma_wait3A_242 = tpu.memref_slice %arg4[%add3A_195, %dma_wait3A_241] : memref<16384x128xf32, #tpu.memory_space<hbm>> -> memref<128x64xf32, #tpu.memory_space<hbm>>
    %dma_wait3A_243 = arith.constant 0 : i32
    %dma_wait3A_244 = arith.constant 64 : i32
    %dma_wait3A_245 = tpu.memref_slice %arg8[%dma_wait3A_243, %dma_wait3A_244] : memref<128x128xf32, #tpu.memory_space<vmem>> -> memref<128x64xf32, #tpu.memory_space<vmem>>
    tpu.wait_dma2 semaphore(%arg19 : memref<!tpu.dma_semaphore, #tpu.memory_space<semaphore_mem>>) src(%dma_wait3A_245 : memref<128x64xf32, #tpu.memory_space<vmem>>) dst(%dma_wait3A_242 : memref<128x64xf32, #tpu.memory_space<hbm>>)
    return
  }
}

</mosaic_0001>

<sc_bundles>
// kernel: kernel.3.cloned.1.call-start
scs
__scs_entry_jumppad:
0x0: {  	(pc) =	sbr.rel $0x88, $3  }
0x1: {  	(tag) =	ssettag $0x0;
	lr =	simm.s32 $0x1  }
0x2: {  	[smem:$0x3F9E] =	sst lr;
	_ =	strace $0xD0000000  }
0x3: {  	_ = 	snop  }
0x4: {  	_ = 	snop  }
0x5: {  	_ = 	snop  }
0x6: {  	_ = 	snop  }
0x7: {  	_ = 	snop  }
__scs_overlays_trampoline_lowered:
0x8: {  	[smem:$0x3FAD] =	sst s0  }
0x9: {  	[smem:$0x3FAE] =	sst s1  }
0xa: {  	[smem:$0x3FAF] =	sst s2  }
0xb: {  	[smem:$0x3FB0] =	sst s3  }
0xc: {  	[smem:$0x3FB1] =	sst s4  }
0xd: {  	[smem:$0x3FB2] =	sst s5  }
0xe: {  	[smem:$0x3FB3] =	sst s6  }
0xf: {  	[smem:$0x3FB4] =	sst s7  }
0x10: {  	[smem:$0x3FB5] =	sst s8  }
0x11: {  	[smem:$0x3FB6] =	sst s9;
	s0 =	simm.s32 @!p0 $0x0  }
0x12: {  	s1 =	sld [smem:$0x3F9C];
	s0 =	simm.s32 @p0 $0x1  }
0x13: {  	[smem:$0x3FB7] =	sst s0;
	s0 =	simm.s32 @!p1 $0x0  }
0x14: {  	s2 =	sld [smem:$0x3F9B];
	s0 =	simm.s32 @p1 $0x1  }
0x15: {  	[smem:$0x3FB8] =	sst s0;
	s0 =	simm.s32 @!p2 $0x0  }
0x16: {  	s3 =	sld [smem:$0x3FDB];
	s0 =	simm.s32 @p2 $0x1  }
0x17: {  	s4 =	simm.s32 $0x1BF5;
	[smem:$0x3FBA] =	sst s0  }
0x18: {  	s0 =	sld [smem:$0x3F9D];
	_ =	swait.ge [sflag:s4], $0x0  }
0x19: {  	s7 =	sld [smem:$0x3F9E]  }
0x1a: {  	s8 =	sadd.s32 $0xFFFFE003, lr  }
0x1b: {  	s9 =	sadd.s32 $0xFFFFFEF7, lr;
	s5 =	simm.s32 $0xFFFFFFFF;
	p2 =	slt.u32 s8, $0xFFFFF086  }
0x1c: {  	p1 =	slt.u32 s9, $0xF7A;
	s5 =	simm.s32 @!p2 $0x0  }
0x1d: {  	s5 =	simm.s32 @p1 $0x1;
	p0 =	seq.s32 s7, s2  }
0x1e: {  	s7 =	smul.u32 @!p0 $0xF7A, s2;
	p2 =	seq.s32 @!p0 s5, $0x0  }
0x1f: {  	s9 =	smul.u32 $0xF7A, s1;
	s8 =	simm.s32 @!p0 $0x1BF5;
	p2 =	por !p2, p0  }
0x20: {  	[sflag:s8] =	ssyncset.s32 @!p0 $0xFFFFF086;
	s6 =	sadd.s32 @!p0 s3, s7;
	s7 =	simm.s32 @!p0 $0x108  }
0x21: {  	s3 =	sadd.s32 s3, s9;
	s6 =	sadd.s32 @!p0 $0x88, s6;
	s7 =	simm.s32 @p2 $0x1082  }
0x22: {  	[simem:s7], [sflag:s8] =	dma.local @!p0 [hbm:s6], $0xF7A  }
0x23: {  	s9 =	sor.u32 $0xD0000000, s2;
	s6 =	simm.s32 $0x108;
	_ =	swait.ge @!p0 [sflag:s8], $0x0  }
0x24: {  	s3 =	sadd.s32 $0x88, s3;
	s6 =	simm.s32 @!p1 $0x1082;
	[sflag:s4] =	ssyncset.s32 $0xFFFFF086  }
0x25: {  	[simem:s6], [sflag:s4] =	dma.local [hbm:s3], $0xF7A  }
0x26: {  	[smem:$0x3F9E] =	sst s1;
	(tag) =	ssettag s2;
	_ =	strace s9  }
0x27: {  	s1 =	sld [smem:$0x3FAE]  }
0x28: {  	s2 =	sld [smem:$0x3FAF]  }
0x29: {  	s4 =	sld [smem:$0x3FB1]  }
0x2a: {  	p0 =	seq.s32 s5, $0x0;
	s5 =	sld [smem:$0x3FB2]  }
0x2b: {  	s6 =	sld [smem:$0x3FB3]  }
0x2c: {  	s7 =	sld [smem:$0x3FB4]  }
0x2d: {  	s3 =	simm.s32 $0x108;
	s8 =	sld [smem:$0x3FB5]  }
0x2e: {  	s3 =	simm.s32 @!p0 $0x1082;
	s9 =	sld [smem:$0x3FB6]  }
0x2f: {  	lr =	sadd.s32 s0, s3;
	s0 =	sld [smem:$0x3FAD]  }
0x30: {  	s3 =	sld [smem:$0x3FB0]  }
0x31: {  	[smem:$0x3FB9] =	sst s10  }
0x32: {  	s10 =	sld [smem:$0x3FB7];
	_ =	sdelay $0x3  }
0x33: {  	p0 =	seq.s32 s10, $0x1;
	s10 =	sld [smem:$0x3FB9];
	_ =	sdelay $0x3  }
0x34: {  	[smem:$0x3FB9] =	sst s10  }
0x35: {  	s10 =	sld [smem:$0x3FB8];
	_ =	sdelay $0x3  }
0x36: {  	p1 =	seq.s32 s10, $0x1;
	s10 =	sld [smem:$0x3FB9];
	_ =	sdelay $0x3  }
0x37: {  	[smem:$0x3FB9] =	sst s10  }
0x38: {  	s10 =	sld [smem:$0x3FBA]  }
0x39: {  	_ = 	snop;
	(pc) =	sbr.ind lr, $3  }
0x3a: {  	_ = 	snop  }
0x3b: {  	_ = 	snop  }
0x3c: {  	p2 =	seq.s32 s10, $0x1;
	s10 =	sld [smem:$0x3FB9]  }
0x3d: {  	_ =	shalt  }
0x3e: {  	_ =	shalt  }
0x3f: {  	_ =	shalt  }
0x40: {  	_ =	shalt  }
0x41: {  	_ =	shalt  }
0x42: {  	_ =	shalt  }
0x43: {  	_ =	shalt  }
0x44: {  	_ =	shalt  }
0x45: {  	_ =	shalt  }
0x46: {  	_ =	shalt  }
0x47: {  	_ =	shalt  }
0x48: {  	_ =	shalt  }
0x49: {  	_ =	shalt  }
0x4a: {  	_ =	shalt  }
0x4b: {  	_ =	shalt  }
0x4c: {  	_ =	shalt  }
0x4d: {  	_ =	shalt  }
0x4e: {  	_ =	shalt  }
0x4f: {  	_ =	shalt  }
0x50: {  	_ =	shalt  }
0x51: {  	_ =	shalt  }
0x52: {  	_ =	shalt  }
0x53: {  	_ =	shalt  }
0x54: {  	_ =	shalt  }
0x55: {  	_ =	shalt  }
0x56: {  	_ =	shalt  }
0x57: {  	_ =	shalt  }
0x58: {  	_ =	shalt  }
0x59: {  	_ =	shalt  }
0x5a: {  	_ =	shalt  }
0x5b: {  	_ =	shalt  }
0x5c: {  	_ =	shalt  }
0x5d: {  	_ =	shalt  }
0x5e: {  	_ =	shalt  }
0x5f: {  	_ =	shalt  }
0x60: {  	_ =	shalt  }
0x61: {  	_ =	shalt  }
0x62: {  	_ =	shalt  }
0x63: {  	_ =	shalt  }
0x64: {  	_ =	shalt  }
0x65: {  	_ =	shalt  }
0x66: {  	_ =	shalt  }
0x67: {  	_ =	shalt  }
0x68: {  	_ =	shalt  }
0x69: {  	_ =	shalt  }
0x6a: {  	_ =	shalt  }
0x6b: {  	_ =	shalt  }
0x6c: {  	_ =	shalt  }
0x6d: {  	_ =	shalt  }
0x6e: {  	_ =	shalt  }
0x6f: {  	_ =	shalt  }
0x70: {  	_ =	shalt  }
0x71: {  	_ =	shalt  }
0x72: {  	_ =	shalt  }
0x73: {  	_ =	shalt  }
0x74: {  	_ =	shalt  }
0x75: {  	_ =	shalt  }
0x76: {  	_ =	shalt  }
0x77: {  	_ =	shalt  }
0x78: {  	_ =	shalt  }
0x79: {  	_ =	shalt  }
0x7a: {  	_ =	shalt  }
0x7b: {  	_ =	shalt  }
0x7c: {  	_ =	shalt  }
0x7d: {  	_ =	shalt  }
0x7e: {  	_ =	shalt  }
0x7f: {  	_ =	shalt  }
0x80: {  	_ =	shalt  }
0x81: {  	_ =	shalt  }
0x82: {  	_ =	shalt  }
0x83: {  	_ =	shalt  }
0x84: {  	_ =	shalt  }
0x85: {  	_ =	shalt  }
0x86: {  	_ =	shalt  }
0x87: {  	_ =	shalt  }
.Lfunc_end0:
.L_simem_size_0:
called_computation_lowered:
.L_overlay_start_0:
0x88: {  	s2 =	sld [smem:$0x3FD9]  }
0x89: {  	s3 =	sld [smem:$0x3FFE];
	_ =	sdelay $0x1  }
0x8a: {  	s1 =	srdreg.scid  }
0x8b: {  	s0 =	sand.u32 $0x1, s1  }
0x8c: {  	s17 =	sshll.u32 s0, $0xA;
	s2 =	sadd.s32 s3, s2  }
0x8d: {  	s2 =	sadd.s32 s2, s17  }
0x8e: {  	[smem:$0x3FC5] =	sst s2  }
0x8f: {  	_ = 	snop  }
0x90: {  	s2 =	sld [smem:$0x3FD0];
	(tm) =	ssettm $0x1  }
0x91: {  	s18 =	sld [smem:$0x3FFB];
	_ =	sdelay $0x3  }
0x92: {  	_ =	strace s18  }
0x93: {  	s3 =	sld [smem:$0x3FFC];
	_ =	sdelay $0x3  }
0x94: {  	_ =	strace s3  }
0x95: {  	s3 =	sld [smem:$0x3FFD];
	_ =	sdelay $0x3  }
0x96: {  	_ =	strace s3  }
0x97: {  	_ =	strace $0x8FFFFFFF  }
0x98: {  	s19 =	sld [smem:$0x3FDB];
	_ =	sdelay $0x1  }
0x99: {  	s4 =	simm.s32 $_scs_section_size  }
0x9a: {  	s5 =	simm.s32 $_size__tile_overlayer_lowered;
	s6 =	simm.s32 $_tile_overlayer_lowered  }
0x9b: {  	s22 =	simm.s32 $0x1BFF;
	s21 =	sshll.u32 s6, $0x1;
	s3 =	sadd.s32 s4, s19  }
0x9c: {  	s7 =	simm.s32 $0x0;
	s20 =	sshll.u32 s5, $0x1;
	s5 =	sadd.s32 s21, s3  }
0x9d: {  	[timem:s7], [sflag:s22] =	dma.local [hbm:s5], s20  }
0x9e: {  	_ =	swait.ge [sflag:s22], s20  }
0x9f: {  	s4 =	ssub.s32 $0x0, s20;
	[sflag:s22] =	ssyncset.done $0x0  }
0xa0: {  	[sflag:s22] =	ssyncadd.s32 s4;
	_ =	sdelay $0x1  }
0xa1: {  	s23 =	simm.s32 $0x1B8B  }
0xa2: {  	_ =	swait.ge [sflag:s23], $0x1  }
0xa3: {  	[sflag:s23] =	ssyncset.done $0x0  }
0xa4: {  	s25 =	simm.s32 $0x1B8E;
	s24 =	sld [smem:$0x3FFE];
	[sflag:s23] =	ssyncadd.s32 $0xFFFFFFFF  }
0xa5: {  	s26 =	simm.s32 $execute0_lowered;
	[smem:$0x3FD2] =	sst s25  }
0xa6: {  	s5 =	sshll.u32 s26, $0x1;
	_ =	strace $0x80000046;
	[dreg:$0x1] =	wrdreg $0xFFFFFFFF  }
0xa7: {  	s28 =	simm.s32 $_size_execute0_lowered;
	s3 =	sadd.s32 s3, s5;
	[dreg:$0x0] =	wrdreg $0x0  }
0xa8: {  	s5 =	sshll.u32 s28, $0x1;
	[dreg:$0x2] =	wrdreg s3  }
0xa9: {  	[dreg:$0x3] =	wrdreg s5  }
0xaa: {  	[dreg:$0x4] =	wrdreg $0xC0  }
0xab: {  	_ =	task [dreg:s7], $0x5FFFF  }
0xac: {  	[dreg:$0x1] =	wrdreg $0xFFFFFFFF  }
0xad: {  	[dreg:$0x0] =	wrdreg $0x60  }
0xae: {  	[dreg:$0x2] =	wrdreg s24  }
0xaf: {  	[dreg:$0x3] =	wrdreg s2  }
0xb0: {  	[dreg:$0x4] =	wrdreg $0x9  }
0xb1: {  	_ =	task.clear_ibuf [dreg:s7], $0x5FFFF;
	_ =	strace $0x90000046  }
0xb2: {  	s29 =	simm.s32 $0x9;
	_ =	strace $0x80000048  }
0xb3: {  	_ =	swait.ge [sflag:s29], $0x1  }
0xb4: {  	[sflag:s29] =	ssyncadd.s32 $0xFFFFFFFF  }
0xb5: {  	_ =	strace $0x90000048  }
0xb6: {  	_ =	sfence  }
0xb7: {  	s30 =	sld [smem:$0x0];
	_ =	sdelay $0x2  }
0xb8: {  	s31 =	sshll.u32 s1, $0xD;
	s1 =	sshrl.u32 s1, $0x2  }
0xb9: {  	s3 =	sand.u32 $0x4000, s31;
	s1 =	sadd.s32 s1, s30  }
0xba: {  	s0 =	sor.u32 s3, s0;
	s1 =	sshll.u32 s1, $0x11  }
0xbb: {  	s0 =	sor.u32 s1, s0  }
0xbc: {  	s0 =	sadd.s32 $0x8F2B, s0  }
0xbd: {  	[sflag:s0] =	ssyncadd.remote.s32 $0x1  }
0xbe: {  	_ =	sfence.sel $0xFFFF  }
0xbf: {  	[dreg:$0x0] =	wrdreg $0xFFFFFFFF;
	(pc) =	sbr.abs _section_cstart, $3  }
0xc0: {  	[dreg:$0x1] =	wrdreg $0xFFFFFFFF  }
0xc1: {  	_ =	task.clear_ibuf [dreg:s7], $0x2FFFF;
	_ =	strace $0x9FFFFFFF  }
0xc2: {  	(tm) =	ssettm $0x7FFFFFFF  }
0xc3: {  	_ =	shalt  }
tec
execute0_lowered:
.L_overlay_start_1:
0x0: {  	(tag) =	ssettag $0x1  }
0x1: {  	s0 =	rddreg [dreg:$0x0];
	s1 =	srdreg.scid  }
0x2: {  	s2 =	stileid.u32;
	s4 =	rddreg [dreg:$0x1];
	s15 =	simm.s32 $0x8  }
0x3: {  	s16 =	simm.s32 $0x200;
	s17 =	simm.s32 $0x80;
	s18 =	simm.s32 $0x400  }
0x4: {  	s19 =	simm.s32 $0x4400;
	s21 =	simm.s32 $0x8400;
	s23 =	simm.s32 $0xC400  }
0x5: {  	s28 =	simm.s32 $0x1;
	s29 =	simm.s32 $0x2;
	s30 =	simm.s32 $0x3  }
0x6: {  	s31 =	simm.s32 $0x4;
	s1 =	sand.u32 $0x1, s1;
	s3 =	sshll.u32 s2, $0x1  }
0x7: {  	s22 =	simm.s32 $0x5;
	s2 =	simm.s32 $0x0;
	s5 =	sor.u32 s1, s3  }
0x8: {  	[smem:$0x7FF] =	sst s2;
	s1 =	ssub.s32 $0x2, s1;
	s3 =	sshll.u32 s5, $0x6  }
0x9: {  	_ =	strace $0x80000047;
	s7 =	sshrl.u32 s1, $0x1;
	s25 =	sshll.u32 s5, $0xD  }
0xa: {  	s6 =	sadd.s32 s3, s0;
	s3 =	sadd.s32 $0x310A00, s0;
	s24 =	ssub.s32 s1, s7  }
0xb: {  	s1 =	simm.s32 $0x7;
	s26 =	sadd.s32 $0x30FA00, s6;
	s5 =	sadd.s32 $0x310200, s6  }
0xc: {  	s6 =	sadd.s32 s4, s25;
	s14 =	smax.u32 s24, $0x1;
	s24 =	simm.s32 $0x6  }
0xd: {  	s25 =	simm.s32 $0x0;
	[dreg:$0x3] =	wrdreg s26;
	s7 =	sadd.s32 $0x800, s6  }
0xe: {  	s8 =	sadd.s32 $0x1000, s6;
	s9 =	sadd.s32 $0x1800, s6;
	s10 =	sadd.s32 $0x8, s6  }
0xf: {  	s11 =	sadd.s32 $0x808, s6;
	s12 =	sadd.s32 $0x1008, s6;
	s13 =	sadd.s32 $0x1808, s6  }
.LBB2_1:
0x10: {  	s0 =	rddreg [dreg:$0x3]  }
0x11: {  	[tilespmem:s2], [sflag:$0x8] =	stream.linear.gather [hbm4b:s0+s2], $0x200, $0x38;
	[tilespmem:$0x18400] =	vst v63  }
0x12: {  	_ =	swait.ge [sflag:s15], $0x200  }
0x13: {  	[sflag:s15] =	ssyncset.done $0x0  }
0x14: {  	[sflag:s15] =	ssyncadd.s32 $0xFFFFFE00  }
0x15: {  	[tilespmem:s16], [sflag:$0x8] =	stream.linear.gather [hbm4b:s5+s2], $0x200, $0x38;
	[tilespmem:$0x18400] =	vst v63  }
0x16: {  	_ =	swait.ge [sflag:s15], $0x200  }
0x17: {  	[sflag:s15] =	ssyncset.done $0x0  }
0x18: {  	[sflag:s15] =	ssyncadd.s32 $0xFFFFFE00  }
0x19: {  	[tilespmem:s18], [sflag:$0x1] =	stream.indirect.gather [hbm4b:s3+s17], $0x80, s2, s17, $0xb8;
	[tilespmem:$0x18400] =	vst v63  }
0x1a: {  	_ = 	snop  }
0x1b: {  	[tilespmem:s19], [sflag:$0x2] =	stream.indirect.gather [hbm4b:s3+s17], $0x80, s17, s17, $0xb8;
	[tilespmem:$0x18400] =	vst v63  }
0x1c: {  	s26 =	simm.s32 $0x100  }
0x1d: {  	[tilespmem:s21], [sflag:$0x3] =	stream.indirect.gather [hbm4b:s3+s17], $0x80, s26, s17, $0xb8;
	[tilespmem:$0x18400] =	vst v63  }
0x1e: {  	s4 =	simm.s32 $0x180  }
0x1f: {  	[tilespmem:s23], [sflag:$0x4] =	stream.indirect.gather [hbm4b:s3+s17], $0x80, s4, s17, $0xb8;
	[tilespmem:$0x18400] =	vst v63  }
0x20: {  	s20 =	simm.s32 $0x10400  }
0x21: {  	[tilespmem:s20], [sflag:$0x5] =	stream.indirect.gather [hbm4b:s3+s17], $0x80, s16, s17, $0xb8;
	[tilespmem:$0x18400] =	vst v63  }
0x22: {  	s26 =	simm.s32 $0x280;
	s4 =	simm.s32 $0x14400  }
0x23: {  	[tilespmem:s4], [sflag:$0x6] =	stream.indirect.gather [hbm4b:s3+s17], $0x80, s26, s17, $0xb8;
	[tilespmem:$0x18400] =	vst v63  }
0x24: {  	_ =	swait.ge [sflag:s28], $0x4000  }
0x25: {  	[sflag:s28] =	ssyncset.done $0x0  }
0x26: {  	[sflag:s28] =	ssyncadd.s32 $0xFFFFC000  }
0x27: {  	[hbm4b:s6+s2] =	stream.linear.scatter [tilespmem:s18], [sflag:$0x7], $0x4000, $0x38;
	[tilespmem:$0x18400] =	vst v63  }
0x28: {  	_ =	swait.ge [sflag:s29], $0x4000  }
0x29: {  	[sflag:s29] =	ssyncset.done $0x0  }
0x2a: {  	[sflag:s29] =	ssyncadd.s32 $0xFFFFC000  }
0x2b: {  	[hbm4b:s7+s2] =	stream.linear.scatter [tilespmem:s19], [sflag:$0x7], $0x4000, $0x38;
	[tilespmem:$0x18400] =	vst v63  }
0x2c: {  	_ =	swait.ge [sflag:s30], $0x4000  }
0x2d: {  	[sflag:s30] =	ssyncset.done $0x0  }
0x2e: {  	[sflag:s30] =	ssyncadd.s32 $0xFFFFC000  }
0x2f: {  	[hbm4b:s8+s2] =	stream.linear.scatter [tilespmem:s21], [sflag:$0x7], $0x4000, $0x38;
	[tilespmem:$0x18400] =	vst v63  }
0x30: {  	_ =	swait.ge [sflag:s31], $0x4000  }
0x31: {  	[sflag:s31] =	ssyncset.done $0x0  }
0x32: {  	[sflag:s31] =	ssyncadd.s32 $0xFFFFC000  }
0x33: {  	[hbm4b:s9+s2] =	stream.linear.scatter [tilespmem:s23], [sflag:$0x7], $0x4000, $0x38;
	[tilespmem:$0x18400] =	vst v63  }
0x34: {  	_ =	swait.ge [sflag:s1], $0x4000  }
0x35: {  	[sflag:s1] =	ssyncset.done $0x0  }
0x36: {  	[sflag:s1] =	ssyncadd.s32 $0xFFFFC000  }
0x37: {  	_ =	swait.ge [sflag:s1], $0x4000  }
0x38: {  	[sflag:s1] =	ssyncset.done $0x0  }
0x39: {  	[sflag:s1] =	ssyncadd.s32 $0xFFFFC000  }
0x3a: {  	_ =	swait.ge [sflag:s1], $0x4000  }
0x3b: {  	[sflag:s1] =	ssyncset.done $0x0  }
0x3c: {  	[sflag:s1] =	ssyncadd.s32 $0xFFFFC000  }
0x3d: {  	_ =	swait.ge [sflag:s1], $0x4000  }
0x3e: {  	[sflag:s1] =	ssyncset.done $0x0  }
0x3f: {  	s20 =	simm.s32 $0x300;
	[sflag:s1] =	ssyncadd.s32 $0xFFFFC000  }
0x40: {  	[tilespmem:s18], [sflag:$0x1] =	stream.indirect.gather [hbm4b:s3+s17], $0x80, s20, s17, $0xb8;
	[tilespmem:$0x18400] =	vst v63  }
0x41: {  	s26 =	simm.s32 $0x380  }
0x42: {  	[tilespmem:s19], [sflag:$0x2] =	stream.indirect.gather [hbm4b:s3+s17], $0x80, s26, s17, $0xb8;
	[tilespmem:$0x18400] =	vst v63  }
0x43: {  	_ =	swait.ge [sflag:s22], $0x4000  }
0x44: {  	s0 =	simm.s32 $0x10;
	s4 =	sadd.s32 $0x0, s10;
	[sflag:s22] =	ssyncset.done $0x0  }
0x45: {  	s20 =	simm.s32 $0x104C0;
	s26 =	simm.s32 $0x10440;
	[sflag:s22] =	ssyncadd.s32 $0xFFFFC000  }
.LBB2_2:
0x46: {  	[hbm4b:s4+s2] =	stream.linear.scatter [tilespmem:s26], [sflag:$0x7], $0x40, $0x38;
	[tilespmem:$0x18400] =	vst v63  }
0x47: {  	s4 =	smov.u32 s0;
	s26 =	smov.u32 s20;
	p0 =	sne.s32 s0, $0x7F0  }
.Ltmp0:
0x48: {  	s0 =	sadd.s32 $0x10, s0;
	(pc) =	sbr.rel @p0 .LBB2_2-.Ltmp0, $2  }
0x49: {  	_ =	sdelay $0x2  }
0x4a: {  	s20 =	sadd.s32 $0x80, s20;
	s4 =	sadd.s32 s4, s10  }
0x4b: {  	[hbm4b:s4+s2] =	stream.linear.scatter [tilespmem:s26], [sflag:$0x7], $0x40, $0x38;
	[tilespmem:$0x18400] =	vst v63  }
0x4c: {  	_ =	swait.ge [sflag:s24], $0x4000  }
0x4d: {  	s26 =	simm.s32 $0x14440;
	s0 =	simm.s32 $0x10;
	[sflag:s24] =	ssyncset.done $0x0  }
0x4e: {  	s4 =	sadd.s32 $0x0, s11;
	s20 =	simm.s32 $0x144C0;
	[sflag:s24] =	ssyncadd.s32 $0xFFFFC000  }
.LBB2_4:
0x4f: {  	[hbm4b:s4+s2] =	stream.linear.scatter [tilespmem:s26], [sflag:$0x7], $0x40, $0x38;
	[tilespmem:$0x18400] =	vst v63  }
0x50: {  	s4 =	smov.u32 s0;
	s26 =	smov.u32 s20;
	p0 =	sne.s32 s0, $0x7F0  }
.Ltmp1:
0x51: {  	s0 =	sadd.s32 $0x10, s0;
	(pc) =	sbr.rel @p0 .LBB2_4-.Ltmp1, $2  }
0x52: {  	_ =	sdelay $0x2  }
0x53: {  	s20 =	sadd.s32 $0x80, s20;
	s4 =	sadd.s32 s4, s11  }
0x54: {  	[hbm4b:s4+s2] =	stream.linear.scatter [tilespmem:s26], [sflag:$0x7], $0x40, $0x38;
	[tilespmem:$0x18400] =	vst v63  }
0x55: {  	_ =	swait.ge [sflag:s28], $0x4000  }
0x56: {  	s26 =	simm.s32 $0x440;
	s0 =	simm.s32 $0x10;
	[sflag:s28] =	ssyncset.done $0x0  }
0x57: {  	s4 =	sadd.s32 $0x0, s12;
	s20 =	simm.s32 $0x4C0;
	[sflag:s28] =	ssyncadd.s32 $0xFFFFC000  }
.LBB2_6:
0x58: {  	[hbm4b:s4+s2] =	stream.linear.scatter [tilespmem:s26], [sflag:$0x7], $0x40, $0x38;
	[tilespmem:$0x18400] =	vst v63  }
0x59: {  	s4 =	smov.u32 s0;
	s26 =	smov.u32 s20;
	p0 =	sne.s32 s0, $0x7F0  }
.Ltmp2:
0x5a: {  	s0 =	sadd.s32 $0x10, s0;
	(pc) =	sbr.rel @p0 .LBB2_6-.Ltmp2, $2  }
0x5b: {  	_ =	sdelay $0x2  }
0x5c: {  	s20 =	sadd.s32 $0x80, s20;
	s4 =	sadd.s32 s4, s12  }
0x5d: {  	[hbm4b:s4+s2] =	stream.linear.scatter [tilespmem:s26], [sflag:$0x7], $0x40, $0x38;
	[tilespmem:$0x18400] =	vst v63  }
0x5e: {  	_ =	swait.ge [sflag:s29], $0x4000  }
0x5f: {  	s26 =	simm.s32 $0x4440;
	s0 =	simm.s32 $0x10;
	[sflag:s29] =	ssyncset.done $0x0  }
0x60: {  	s4 =	sadd.s32 $0x0, s13;
	s20 =	simm.s32 $0x44C0;
	[sflag:s29] =	ssyncadd.s32 $0xFFFFC000  }
.LBB2_8:
0x61: {  	[hbm4b:s4+s2] =	stream.linear.scatter [tilespmem:s26], [sflag:$0x7], $0x40, $0x38;
	[tilespmem:$0x18400] =	vst v63  }
0x62: {  	s4 =	smov.u32 s0;
	s26 =	smov.u32 s20;
	p0 =	sne.s32 s0, $0x7F0  }
.Ltmp3:
0x63: {  	s0 =	sadd.s32 $0x10, s0;
	(pc) =	sbr.rel @p0 .LBB2_8-.Ltmp3, $2  }
0x64: {  	_ =	sdelay $0x2  }
0x65: {  	s20 =	sadd.s32 $0x80, s20;
	s4 =	sadd.s32 s4, s13  }
0x66: {  	[hbm4b:s4+s2] =	stream.linear.scatter [tilespmem:s26], [sflag:$0x7], $0x40, $0x38;
	[tilespmem:$0x18400] =	vst v63  }
0x67: {  	_ =	swait.ge [sflag:s1], $0x2000  }
0x68: {  	[sflag:s1] =	ssyncset.done $0x0  }
0x69: {  	[sflag:s1] =	ssyncadd.s32 $0xFFFFE000  }
0x6a: {  	_ =	swait.ge [sflag:s1], $0x2000  }
0x6b: {  	[sflag:s1] =	ssyncset.done $0x0  }
0x6c: {  	s25 =	sadd.s32 $0x1, s25;
	[sflag:s1] =	ssyncadd.s32 $0xFFFFE000  }
0x6d: {  	p0 =	sne.s32 s25, s14;
	_ =	swait.ge [sflag:s1], $0x2000  }
.Ltmp4:
0x6e: {  	[sflag:s1] =	ssyncset.done $0x0;
	(pc) =	sbr.rel @p0 .LBB2_1-.Ltmp4, $4  }
0x6f: {  	[sflag:s1] =	ssyncadd.s32 $0xFFFFE000  }
0x70: {  	_ =	swait.ge [sflag:s1], $0x2000  }
0x71: {  	[sflag:s1] =	ssyncset.done $0x0  }
0x72: {  	[sflag:s1] =	ssyncadd.s32 $0xFFFFE000  }
0x73: {  	_ =	sfence.sel $0x180000  }
0x74: {  	[bflag:$0x0] =	sbarrier.arrive $0xFFFF  }
0x75: {  	_ =	strace $0x90000047  }
0x76: {  	s0 =	stileid.u32;
	[bflag:$0x2] =	sbarrier.arrive $0xFFFF  }
0x77: {  	p0 =	sne.s32 s0, $0x0;
	s0 =	rddreg [dreg:$0x2]  }
0x78: {  	s0 =	sadd.s32 @!p0 $0x100000, s0  }
0x79: {  	[sflag:s0] =	ssyncadd.tile.s32 @!p0 $0x1;
	_ =	shalt  }
.Lfunc_end2:
_tile_overlayer_lowered:
.L_overlay_start_2:
0x7a: {  	(tag) =	ssettag $0x2  }
0x7b: {  	s0 =	rddreg [dreg:$0x0];
	s2 =	stileid.u32  }
0x7c: {  	s1 =	rddreg [dreg:$0x1];
	p0 =	sne.s32 s2, $0x0  }
0x7d: {  	s3 =	rddreg [dreg:$0x2];
	[bflag:$0x3] =	sbarrier.arrive $0xFFFF;
	s2 =	simm.s32 @!p0 $0x1C08  }
0x7e: {  	[timem:s3], [sflag:s2] =	dma.local @!p0 [hbm:s0], s1  }
0x7f: {  	s0 =	simm.s32 @!p0 $0x8  }
0x80: {  	_ =	swait.ge @!p0 [sflag:s0], s1  }
0x81: {  	s1 =	ssub.s32 @!p0 $0x0, s1;
	[sflag:s0] =	ssyncset.done @!p0 $0x0  }
0x82: {  	[sflag:s0] =	ssyncadd.s32 @!p0 s1  }
0x83: {  	[bflag:$0x3] =	sbarrier.arrive $0xFFFF  }
0x84: {  	_ =	shalt  }

</sc_bundles>
